<compile_context>
chip_gen: v7x
topology: tpu7x:2x2x1
jax: 0.10.2.dev20260603
libtpu: 0.0.44.dev20260713+nightly
codegen_flags: <defaults>
</compile_context>

<pallas_src>
import functools

import jax
import jax.numpy as jnp
from jax import lax
from jax.experimental import pallas as pl
from jax.experimental.pallas import tpu as pltpu
from jax.experimental.pallas import tpu_sc as plsc

_TA = 2048
_TB = 2048


def _norm(x):
    return x / (jnp.sqrt(jnp.sum(x * x, axis=0, keepdims=True) + 1e-8) + 1e-8)


def _nn_body(nb, hw2, a_ref, b_ref, z_ref, bd_ref, bz_ref, an_ref, bn_ref):
    i = pl.program_id(0)
    ia = pl.program_id(1)
    ib = pl.program_id(2)

    @pl.when(ib == 0)
    def _cache_a():
        an_ref[...] = _norm(a_ref[0])

    @pl.when(ia == 0)
    def _cache_b():
        bn_ref[ib] = _norm(b_ref[0])

    s = lax.dot_general(bn_ref[ib], an_ref[...], (((0,), (0,)), ((), ())),
                        preferred_element_type=jnp.float32)
    d = 1.0 - s
    m = jnp.min(d, axis=0, keepdims=True)
    row = lax.broadcasted_iota(jnp.int32, (d.shape[0], 1), 0).astype(jnp.float32)
    loc_f = jnp.min(jnp.where(d == m, row, float(d.shape[0])),
                    axis=0, keepdims=True)
    loc = loc_f.astype(jnp.int32)
    gidx = i * hw2 + ib * d.shape[0] + loc

    @pl.when(ib == 0)
    def _init():
        bd_ref[...] = m
        bz_ref[...] = gidx

    @pl.when(ib > 0)
    def _merge():
        better = m < bd_ref[...]
        bd_ref[...] = jnp.where(better, m, bd_ref[...])
        bz_ref[...] = jnp.where(better, gidx, bz_ref[...])

    @pl.when(ib == nb - 1)
    def _emit():
        z_ref[0] = jnp.broadcast_to(bz_ref[...], z_ref.shape[1:])


def _nn_indices(a, b):
    n, c, hw = a.shape
    hw2 = b.shape[2]
    na, nb = hw // _TA, hw2 // _TB
    z = pl.pallas_call(
        functools.partial(_nn_body, nb, hw2),
        grid=(n, na, nb),
        in_specs=[
            pl.BlockSpec((1, c, _TA), lambda i, ia, ib: (i, 0, ia)),
            pl.BlockSpec((1, c, _TB), lambda i, ia, ib: (i, 0, ib)),
        ],
        out_specs=pl.BlockSpec((1, 8, _TA), lambda i, ia, ib: (i, 0, ia)),
        out_shape=jax.ShapeDtypeStruct((n, 8, hw), jnp.int32),
        scratch_shapes=[
            pltpu.VMEM((1, _TA), jnp.float32),
            pltpu.VMEM((1, _TA), jnp.int32),
            pltpu.VMEM((c, _TA), jnp.float32),
            pltpu.VMEM((nb, c, _TB), jnp.float32),
        ],
        compiler_params=pltpu.CompilerParams(
            dimension_semantics=("arbitrary", "arbitrary", "arbitrary"),
        ),
    )(a, b)
    return z[:, 0, :].reshape(-1)


def _sc_gather(table, idx):
    V, D = table.shape
    B = idx.shape[0]
    info = plsc.get_sparse_core_info()
    nw = info.num_cores * info.num_subcores
    assert B % (8 * nw) == 0 and D % info.num_lanes == 0
    b_per_w = B // nw
    mesh = plsc.VectorSubcoreMesh(core_axis_name="c", subcore_axis_name="s")

    @functools.partial(
        pl.kernel, mesh=mesh,
        out_type=jax.ShapeDtypeStruct((B, D), jnp.float32),
        scratch_types=[
            pltpu.VMEM((b_per_w,), jnp.int32),
            pltpu.VMEM((b_per_w, D), jnp.float32),
            pltpu.SemaphoreType.DMA,
        ],
    )
    def gather_k(table_hbm, idx_hbm, out_hbm, idx_v, rows_v, sem):
        wid = lax.axis_index("s") * info.num_cores + lax.axis_index("c")
        base = wid * b_per_w
        pltpu.sync_copy(idx_hbm.at[pl.ds(base, b_per_w)], idx_v)
        pltpu.async_copy(table_hbm.at[idx_v], rows_v, sem).wait()
        pltpu.sync_copy(rows_v, out_hbm.at[pl.ds(base, b_per_w)])

    return gather_k(table, idx)


def kernel(content, content_style, style):
    n, c, h, w = content.shape
    hw = h * w
    a = content.reshape(n, c, hw)
    b = content_style.reshape(n, c, hw)
    z = _nn_indices(a, b)
    s_t = jnp.transpose(style.reshape(n, c, hw), (0, 2, 1)).reshape(n * hw, c)
    g = _sc_gather(s_t, z)
    return jnp.transpose(g.reshape(n, hw, c), (0, 2, 1))

# --- scband reference (transcript-rebuilt; emitter-appended) ---
"""Pipeline reference for scband-semantic-encoder-68590627717287 (READ-ONLY COPY).

The authoritative reference and input builder live on the scoring server;
editing this copy changes nothing except your own understanding.
"""

import jax, jax.numpy as jnp
import numpy as np


def _argmin_cos_distance(a, b):
    # a: [1, c, hw], b: [1, c, h2w2]
    b_norm = jnp.sqrt((b * b).sum(axis=1, keepdims=True) + 1e-08)
    b = b / (b_norm + 1e-08)
    hw2 = b.shape[-1]
    loop_batch_size = int(100000000.0 / hw2)
    z_best = []
    for i in range(0, a.shape[-1], loop_batch_size):
        a_batch = a[..., i:i + loop_batch_size]
        a_batch_norm = jnp.sqrt((a_batch * a_batch).sum(axis=1, keepdims=True) + 1e-08)
        a_batch = a_batch / (a_batch_norm + 1e-08)
        d_mat = 1.0 - jnp.matmul(jnp.transpose(a_batch, (0, 2, 1)), b)
        z_best_batch = jnp.argmin(d_mat, axis=2)
        z_best.append(z_best_batch)
    return jnp.concatenate(z_best, axis=-1)


def setup_inputs(seed: int = 0) -> dict:
    key = jax.random.key(seed)
    k1, k2, k3 = jax.random.split(key, 3)
    n, c, h, w = 3, 256, 64, 64
    return {
        "content": jax.random.normal(k1, (n, c, h, w), dtype=jnp.float32),
        "content_style": jax.random.normal(k2, (n, c, h, w), dtype=jnp.float32),
        "style": jax.random.normal(k3, (n, c, h, w), dtype=jnp.float32),
    }


def reference(content, content_style, style):
    # nn_feat_replace: 1-NN cosine retrieval from content->content_style,
    # then gather matched feature vectors out of style.
    content = content.reshape(content.shape[0], content.shape[1], -1)
    content_style = content_style.reshape(content_style.shape[0], content_style.shape[1], -1)
    style = style.reshape(style.shape[0], style.shape[1], -1)
    n, c, hw = content.shape
    z_new = []
    for i in range(n):
        z_best = _argmin_cos_distance(content[i:i + 1], content_style[i:i + 1])  # [1, hw]
        z_best = jnp.broadcast_to(z_best[:, None, :], (1, c, hw))
        feat = jnp.take_along_axis(style[i:i + 1], z_best, axis=2)
        z_new.append(feat)
    z_new = jnp.concatenate(z_new, axis=0)
    return z_new

if __name__ == "__main__":
    import jax
    _d = setup_inputs()
    print(jax.jit(kernel)(*tuple(_d.values())))

</pallas_src>

<mosaic_0001>
#map = affine_map<(d0, d1) -> (0, 0)>
#map1 = affine_map<(d0, d1) -> (0)>
module attributes {stable_mosaic.version = 14 : i64} {
  func.func @gather_k(%arg0: i32, %arg1: i32, %arg2: memref<12288x256xf32, #tpu.memory_space<hbm>>, %arg3: memref<12288xi32, #tpu.memory_space<hbm>>, %arg4: memref<12288x256xf32, #tpu.memory_space<hbm>>, %arg5: memref<384xi32, #tpu.memory_space<vmem>>, %arg6: memref<384x256xf32, #tpu.memory_space<vmem>>, %arg7: memref<!tpu.dma_semaphore, #tpu.memory_space<semaphore_mem>>) attributes {dimension_semantics = [#tpu.dimension_semantics<core_parallel>, #tpu.dimension_semantics<subcore_parallel>], iteration_bounds = array<i64: 2, 16>, scalar_prefetch = 0 : i64, scratch_operands = 3 : i64, tpu.core_type = #tpu.core_type<sc_vector_subcore>, window_params = [{transform_indices = #map}, {transform_indices = #map1}, {transform_indices = #map}]} {
    %mul3A = arith.constant 2 : i32
    %mul3A_0 = arith.muli %arg1, %mul3A : i32
    %add3A = arith.addi %mul3A_0, %arg0 : i32
    %mul3A_1 = arith.constant 384 : i32
    %mul3A_2 = arith.muli %add3A, %mul3A_1 : i32
    "tpu.region"() ({
      %run_scoped3A = tpu.sem_alloc : memref<!tpu.dma_semaphore, #tpu.memory_space<semaphore_mem>>
      %dma_start3A_7 = tpu.memref_slice %arg3[%mul3A_2] : memref<12288xi32, #tpu.memory_space<hbm>> -> memref<384xi32, #tpu.memory_space<hbm>>
      %dma_start3A_8 = tpu.memref_slice %arg3[%mul3A_2] : memref<12288xi32, #tpu.memory_space<hbm>> -> memref<384xi32, #tpu.memory_space<hbm>>
      tpu.enqueue_dma source(%dma_start3A_8 : memref<384xi32, #tpu.memory_space<hbm>>) target(%arg5 : memref<384xi32, #tpu.memory_space<vmem>>) target_semaphore(%run_scoped3A : memref<!tpu.dma_semaphore, #tpu.memory_space<semaphore_mem>>)
      %dma_wait3A_9 = tpu.memref_slice %arg3[%mul3A_2] : memref<12288xi32, #tpu.memory_space<hbm>> -> memref<384xi32, #tpu.memory_space<hbm>>
      %dma_wait3A_10 = tpu.memref_slice %arg3[%mul3A_2] : memref<12288xi32, #tpu.memory_space<hbm>> -> memref<384xi32, #tpu.memory_space<hbm>>
      tpu.wait_dma2 semaphore(%run_scoped3A : memref<!tpu.dma_semaphore, #tpu.memory_space<semaphore_mem>>) src(%dma_wait3A_10 : memref<384xi32, #tpu.memory_space<hbm>>) dst(%arg5 : memref<384xi32, #tpu.memory_space<vmem>>)
      tpu.yield
    }) : () -> ()
    %dma_start3A = arith.constant 0 : i32
    %dma_start3A_3 = arith.constant 0 : i32
    %dma_start3A_4 = tpu.memref_slice %arg2[%dma_start3A, %dma_start3A_3] : memref<12288x256xf32, #tpu.memory_space<hbm>> -> memref<12288x256xf32, #tpu.memory_space<hbm>>
    tpu.enqueue_indirect_dma source(%dma_start3A_4 : memref<12288x256xf32, #tpu.memory_space<hbm>>) target(%arg6 : memref<384x256xf32, #tpu.memory_space<vmem>>) offsets(%arg5 : memref<384xi32, #tpu.memory_space<vmem>>) semaphore(%arg7 : memref<!tpu.dma_semaphore, #tpu.memory_space<semaphore_mem>>)
    %dma_wait3A = arith.constant 0 : i32
    %dma_wait3A_5 = arith.constant 0 : i32
    %dma_wait3A_6 = tpu.memref_slice %arg2[%dma_wait3A, %dma_wait3A_5] : memref<12288x256xf32, #tpu.memory_space<hbm>> -> memref<12288x256xf32, #tpu.memory_space<hbm>>
    tpu.wait_indirect_dma semaphore(%arg7 : memref<!tpu.dma_semaphore, #tpu.memory_space<semaphore_mem>>) src(%dma_wait3A_6 : memref<12288x256xf32, #tpu.memory_space<hbm>>) dst(%arg6 : memref<384x256xf32, #tpu.memory_space<vmem>>)
    "tpu.region"() ({
      %run_scoped3A = tpu.sem_alloc : memref<!tpu.dma_semaphore, #tpu.memory_space<semaphore_mem>>
      %dma_start3A_7 = arith.constant 0 : i32
      %dma_start3A_8 = tpu.memref_slice %arg4[%mul3A_2, %dma_start3A_7] : memref<12288x256xf32, #tpu.memory_space<hbm>> -> memref<384x256xf32, #tpu.memory_space<hbm>>
      %dma_start3A_9 = arith.constant 0 : i32
      %dma_start3A_10 = tpu.memref_slice %arg4[%mul3A_2, %dma_start3A_9] : memref<12288x256xf32, #tpu.memory_space<hbm>> -> memref<384x256xf32, #tpu.memory_space<hbm>>
      tpu.enqueue_dma source(%arg6 : memref<384x256xf32, #tpu.memory_space<vmem>>) target(%dma_start3A_10 : memref<384x256xf32, #tpu.memory_space<hbm>>) target_semaphore(%run_scoped3A : memref<!tpu.dma_semaphore, #tpu.memory_space<semaphore_mem>>)
      %dma_wait3A_11 = arith.constant 0 : i32
      %dma_wait3A_12 = tpu.memref_slice %arg4[%mul3A_2, %dma_wait3A_11] : memref<12288x256xf32, #tpu.memory_space<hbm>> -> memref<384x256xf32, #tpu.memory_space<hbm>>
      %dma_wait3A_13 = arith.constant 0 : i32
      %dma_wait3A_14 = tpu.memref_slice %arg4[%mul3A_2, %dma_wait3A_13] : memref<12288x256xf32, #tpu.memory_space<hbm>> -> memref<384x256xf32, #tpu.memory_space<hbm>>
      tpu.wait_dma2 semaphore(%run_scoped3A : memref<!tpu.dma_semaphore, #tpu.memory_space<semaphore_mem>>) src(%arg6 : memref<384x256xf32, #tpu.memory_space<vmem>>) dst(%dma_wait3A_14 : memref<384x256xf32, #tpu.memory_space<hbm>>)
      tpu.yield
    }) : () -> ()
    return
  }
}

module attributes {stable_mosaic.version = 14 : i64} {
  func.func @_nn_body(%arg0: i32, %arg1: i32, %arg2: i32, %arg3: memref<1x256x2048xf32, #tpu.memory_space<vmem>>, %arg4: memref<1x256x2048xf32, #tpu.memory_space<vmem>>, %arg5: memref<1x8x2048xi32, #tpu.memory_space<vmem>>, %arg6: memref<1x2048xf32, #tpu.memory_space<vmem>>, %arg7: memref<1x2048xi32, #tpu.memory_space<vmem>>, %arg8: memref<256x2048xf32, #tpu.memory_space<vmem>>, %arg9: memref<2x256x2048xf32, #tpu.memory_space<vmem>>) attributes {dimension_semantics = [#tpu.dimension_semantics<arbitrary>, #tpu.dimension_semantics<arbitrary>, #tpu.dimension_semantics<arbitrary>], iteration_bounds = array<i64: 3, 2, 2>, scalar_prefetch = 0 : i64, scratch_operands = 4 : i64, tpu.core_type = #tpu.core_type<tc>, window_params = [{transform_indices = @transform_0, window_bounds = array<i64: 1, 256, 2048>}, {transform_indices = @transform_1, window_bounds = array<i64: 1, 256, 2048>}, {transform_indices = @transform_2, window_bounds = array<i64: 1, 8, 2048>}]} {
    %eq3A = arith.constant 0 : i32
    %eq3A_0 = arith.cmpi eq, %arg2, %eq3A : i32
    %convert_element_type3A = arith.extui %eq3A_0 : i1 to i32
    %cond3A = arith.constant 0 : i32
    %cond3A_1 = arith.cmpi ne, %convert_element_type3A, %cond3A : i32
    scf.if %cond3A_1 {
      %get3A_47 = arith.constant 0 : index
      %get3A_48 = arith.constant 0 : index
      %get3A_49 = arith.constant 0 : index
      %get3A_50 = vector.load %arg3[%get3A_47, %get3A_48, %get3A_49] : memref<1x256x2048xf32, #tpu.memory_space<vmem>>, vector<1x256x2048xf32>
      %get3A_51 = vector.shape_cast %get3A_50 : vector<1x256x2048xf32> to vector<256x2048xf32>
      %mul3A_52 = arith.mulf %get3A_51, %get3A_51 : vector<256x2048xf32>
      %reduce_sum3A = arith.constant dense<0.000000e+00> : vector<2048xf32>
      %reduce_sum3A_53 = vector.multi_reduction <add>, %mul3A_52, %reduce_sum3A [0] : vector<256x2048xf32> to vector<2048xf32>
      %broadcast_in_dim3A_54 = vector.shape_cast %reduce_sum3A_53 : vector<2048xf32> to vector<1x2048xf32>
      %add3A_55 = arith.constant 9.99999993E-9 : f32
      %add3A_56 = vector.broadcast %add3A_55 : f32 to vector<1x2048xf32>
      %add3A_57 = arith.addf %broadcast_in_dim3A_54, %add3A_56 : vector<1x2048xf32>
      %sqrt3A = math.sqrt %add3A_57 : vector<1x2048xf32>
      %add3A_58 = arith.constant 9.99999993E-9 : f32
      %add3A_59 = vector.broadcast %add3A_58 : f32 to vector<1x2048xf32>
      %add3A_60 = arith.addf %sqrt3A, %add3A_59 : vector<1x2048xf32>
      %div3A = vector.broadcast %add3A_60 : vector<1x2048xf32> to vector<256x2048xf32>
      %div3A_61 = arith.divf %get3A_51, %div3A : vector<256x2048xf32>
      %swap3A = arith.constant 0 : index
      %swap3A_62 = arith.constant 0 : index
      %swap3A_63 = vector.load %arg8[%swap3A, %swap3A_62] : memref<256x2048xf32, #tpu.memory_space<vmem>>, vector<256x2048xf32>
      tpu.vector_store %arg8[%swap3A, %swap3A_62], %div3A_61 {strides = array<i32>} : memref<256x2048xf32, #tpu.memory_space<vmem>>, vector<256x2048xf32>,
    } else {
    }
    %eq3A_2 = arith.constant 0 : i32
    %eq3A_3 = arith.cmpi eq, %arg1, %eq3A_2 : i32
    %convert_element_type3A_4 = arith.extui %eq3A_3 : i1 to i32
    %cond3A_5 = arith.constant 0 : i32
    %cond3A_6 = arith.cmpi ne, %convert_element_type3A_4, %cond3A_5 : i32
    scf.if %cond3A_6 {
      %get3A_47 = arith.constant 0 : index
      %get3A_48 = arith.constant 0 : index
      %get3A_49 = arith.constant 0 : index
      %get3A_50 = vector.load %arg4[%get3A_47, %get3A_48, %get3A_49] : memref<1x256x2048xf32, #tpu.memory_space<vmem>>, vector<1x256x2048xf32>
      %get3A_51 = vector.shape_cast %get3A_50 : vector<1x256x2048xf32> to vector<256x2048xf32>
      %mul3A_52 = arith.mulf %get3A_51, %get3A_51 : vector<256x2048xf32>
      %reduce_sum3A = arith.constant dense<0.000000e+00> : vector<2048xf32>
      %reduce_sum3A_53 = vector.multi_reduction <add>, %mul3A_52, %reduce_sum3A [0] : vector<256x2048xf32> to vector<2048xf32>
      %broadcast_in_dim3A_54 = vector.shape_cast %reduce_sum3A_53 : vector<2048xf32> to vector<1x2048xf32>
      %add3A_55 = arith.constant 9.99999993E-9 : f32
      %add3A_56 = vector.broadcast %add3A_55 : f32 to vector<1x2048xf32>
      %add3A_57 = arith.addf %broadcast_in_dim3A_54, %add3A_56 : vector<1x2048xf32>
      %sqrt3A = math.sqrt %add3A_57 : vector<1x2048xf32>
      %add3A_58 = arith.constant 9.99999993E-9 : f32
      %add3A_59 = vector.broadcast %add3A_58 : f32 to vector<1x2048xf32>
      %add3A_60 = arith.addf %sqrt3A, %add3A_59 : vector<1x2048xf32>
      %div3A = vector.broadcast %add3A_60 : vector<1x2048xf32> to vector<256x2048xf32>
      %div3A_61 = arith.divf %get3A_51, %div3A : vector<256x2048xf32>
      %swap3A = arith.index_cast %arg2 : i32 to index
      %swap3A_62 = arith.constant 0 : index
      %swap3A_63 = arith.constant 0 : index
      %swap3A_64 = vector.load %arg9[%swap3A, %swap3A_62, %swap3A_63] : memref<2x256x2048xf32, #tpu.memory_space<vmem>>, vector<1x256x2048xf32>
      %swap3A_65 = vector.shape_cast %swap3A_64 : vector<1x256x2048xf32> to vector<256x2048xf32>
      %swap3A_66 = vector.shape_cast %div3A_61 : vector<256x2048xf32> to vector<1x256x2048xf32>
      tpu.vector_store %arg9[%swap3A, %swap3A_62, %swap3A_63], %swap3A_66 {strides = array<i32>} : memref<2x256x2048xf32, #tpu.memory_space<vmem>>, vector<1x256x2048xf32>,
    } else {
    }
    %get3A = arith.index_cast %arg2 : i32 to index
    %get3A_7 = arith.constant 0 : index
    %get3A_8 = arith.constant 0 : index
    %get3A_9 = vector.load %arg9[%get3A, %get3A_7, %get3A_8] : memref<2x256x2048xf32, #tpu.memory_space<vmem>>, vector<1x256x2048xf32>
    %get3A_10 = vector.shape_cast %get3A_9 : vector<1x256x2048xf32> to vector<256x2048xf32>
    %get3A_11 = arith.constant 0 : index
    %get3A_12 = arith.constant 0 : index
    %get3A_13 = vector.load %arg8[%get3A_11, %get3A_12] : memref<256x2048xf32, #tpu.memory_space<vmem>>, vector<256x2048xf32>
    %dot_general3A = arith.constant dense<0.000000e+00> : vector<2048x2048xf32>
    %dot_general3A_14 = tpu.matmul %get3A_10, %get3A_13, %dot_general3A {dimension_numbers = #tpu.dot_dimension_numbers<[0], [0], [1], [1], [0, 1, 1, 1], [], []>, transpose_lhs_hint = false} : vector<256x2048xf32>, vector<256x2048xf32>, vector<2048x2048xf32> -> vector<2048x2048xf32>
    %sub3A = arith.constant 1.000000e+00 : f32
    %sub3A_15 = vector.broadcast %sub3A : f32 to vector<2048x2048xf32>
    %sub3A_16 = arith.subf %sub3A_15, %dot_general3A_14 : vector<2048x2048xf32>
    %reduce_min3A = arith.constant dense<0x7F800000> : vector<2048xf32>
    %reduce_min3A_17 = vector.multi_reduction <minimumf>, %sub3A_16, %reduce_min3A [0] : vector<2048x2048xf32> to vector<2048xf32>
    %broadcast_in_dim3A = vector.shape_cast %reduce_min3A_17 : vector<2048xf32> to vector<1x2048xf32>
    %iota3A = tpu.iota {dimensions = array<i32: 0>} : vector<2048x1xi32>
    %convert_element_type3A_18 = arith.sitofp %iota3A : vector<2048x1xi32> to vector<2048x1xf32>
    %eq3A_19 = vector.broadcast %broadcast_in_dim3A : vector<1x2048xf32> to vector<2048x2048xf32>
    %eq3A_20 = arith.cmpf oeq, %sub3A_16, %eq3A_19 : vector<2048x2048xf32>
    %jit3A = arith.constant 2.048000e+03 : f32
    %broadcast_in_dim3A_21 = vector.shape_cast %convert_element_type3A_18 : vector<2048x1xf32> to vector<2048x1xf32>
    %broadcast_in_dim3A_22 = vector.broadcast %broadcast_in_dim3A_21 : vector<2048x1xf32> to vector<2048x2048xf32>
    %broadcast_in_dim3A_23 = vector.broadcast %jit3A : f32 to vector<2048x2048xf32>
    %select_n3A = arith.select %eq3A_20, %broadcast_in_dim3A_22, %broadcast_in_dim3A_23 : vector<2048x2048xi1>, vector<2048x2048xf32>
    %reduce_min3A_24 = arith.constant dense<0x7F800000> : vector<2048xf32>
    %reduce_min3A_25 = vector.multi_reduction <minimumf>, %select_n3A, %reduce_min3A_24 [0] : vector<2048x2048xf32> to vector<2048xf32>
    %broadcast_in_dim3A_26 = vector.shape_cast %reduce_min3A_25 : vector<2048xf32> to vector<1x2048xf32>
    %convert_element_type3A_27 = arith.fptosi %broadcast_in_dim3A_26 : vector<1x2048xf32> to vector<1x2048xi32>
    %mul3A = arith.constant 4096 : i32
    %mul3A_28 = arith.muli %arg0, %mul3A : i32
    %mul3A_29 = arith.constant 2048 : i32
    %mul3A_30 = arith.muli %arg2, %mul3A_29 : i32
    %add3A = arith.addi %mul3A_28, %mul3A_30 : i32
    %add3A_31 = vector.broadcast %add3A : i32 to vector<1x2048xi32>
    %add3A_32 = arith.addi %add3A_31, %convert_element_type3A_27 : vector<1x2048xi32>
    %eq3A_33 = arith.constant 0 : i32
    %eq3A_34 = arith.cmpi eq, %arg2, %eq3A_33 : i32
    %convert_element_type3A_35 = arith.extui %eq3A_34 : i1 to i32
    %cond3A_36 = arith.constant 0 : i32
    %cond3A_37 = arith.cmpi ne, %convert_element_type3A_35, %cond3A_36 : i32
    scf.if %cond3A_37 {
      %swap3A = arith.constant 0 : index
      %swap3A_47 = arith.constant 0 : index
      %swap3A_48 = vector.load %arg6[%swap3A, %swap3A_47] : memref<1x2048xf32, #tpu.memory_space<vmem>>, vector<1x2048xf32>
      tpu.vector_store %arg6[%swap3A, %swap3A_47], %broadcast_in_dim3A {strides = array<i32>} : memref<1x2048xf32, #tpu.memory_space<vmem>>, vector<1x2048xf32>,
      %swap3A_49 = arith.constant 0 : index
      %swap3A_50 = arith.constant 0 : index
      %swap3A_51 = vector.load %arg7[%swap3A_49, %swap3A_50] : memref<1x2048xi32, #tpu.memory_space<vmem>>, vector<1x2048xi32>
      tpu.vector_store %arg7[%swap3A_49, %swap3A_50], %add3A_32 {strides = array<i32>} : memref<1x2048xi32, #tpu.memory_space<vmem>>, vector<1x2048xi32>,
    } else {
    }
    %gt3A = arith.constant 0 : i32
    %gt3A_38 = arith.cmpi sgt, %arg2, %gt3A : i32
    %convert_element_type3A_39 = arith.extui %gt3A_38 : i1 to i32
    %cond3A_40 = arith.constant 0 : i32
    %cond3A_41 = arith.cmpi ne, %convert_element_type3A_39, %cond3A_40 : i32
    scf.if %cond3A_41 {
      %get3A_47 = arith.constant 0 : index
      %get3A_48 = arith.constant 0 : index
      %get3A_49 = vector.load %arg6[%get3A_47, %get3A_48] : memref<1x2048xf32, #tpu.memory_space<vmem>>, vector<1x2048xf32>
      %lt3A = arith.cmpf olt, %broadcast_in_dim3A, %get3A_49 : vector<1x2048xf32>
      %get3A_50 = arith.constant 0 : index
      %get3A_51 = arith.constant 0 : index
      %get3A_52 = vector.load %arg6[%get3A_50, %get3A_51] : memref<1x2048xf32, #tpu.memory_space<vmem>>, vector<1x2048xf32>
      %select_n3A_53 = arith.select %lt3A, %broadcast_in_dim3A, %get3A_52 : vector<1x2048xi1>, vector<1x2048xf32>
      %swap3A = arith.constant 0 : index
      %swap3A_54 = arith.constant 0 : index
      %swap3A_55 = vector.load %arg6[%swap3A, %swap3A_54] : memref<1x2048xf32, #tpu.memory_space<vmem>>, vector<1x2048xf32>
      tpu.vector_store %arg6[%swap3A, %swap3A_54], %select_n3A_53 {strides = array<i32>} : memref<1x2048xf32, #tpu.memory_space<vmem>>, vector<1x2048xf32>,
      %get3A_56 = arith.constant 0 : index
      %get3A_57 = arith.constant 0 : index
      %get3A_58 = vector.load %arg7[%get3A_56, %get3A_57] : memref<1x2048xi32, #tpu.memory_space<vmem>>, vector<1x2048xi32>
      %select_n3A_59 = arith.select %lt3A, %add3A_32, %get3A_58 : vector<1x2048xi1>, vector<1x2048xi32>
      %swap3A_60 = arith.constant 0 : index
      %swap3A_61 = arith.constant 0 : index
      %swap3A_62 = vector.load %arg7[%swap3A_60, %swap3A_61] : memref<1x2048xi32, #tpu.memory_space<vmem>>, vector<1x2048xi32>
      tpu.vector_store %arg7[%swap3A_60, %swap3A_61], %select_n3A_59 {strides = array<i32>} : memref<1x2048xi32, #tpu.memory_space<vmem>>, vector<1x2048xi32>,
    } else {
    }
    %eq3A_42 = arith.constant 1 : i32
    %eq3A_43 = arith.cmpi eq, %arg2, %eq3A_42 : i32
    %convert_element_type3A_44 = arith.extui %eq3A_43 : i1 to i32
    %cond3A_45 = arith.constant 0 : i32
    %cond3A_46 = arith.cmpi ne, %convert_element_type3A_44, %cond3A_45 : i32
    scf.if %cond3A_46 {
      %get3A_47 = arith.constant 0 : index
      %get3A_48 = arith.constant 0 : index
      %get3A_49 = vector.load %arg7[%get3A_47, %get3A_48] : memref<1x2048xi32, #tpu.memory_space<vmem>>, vector<1x2048xi32>
      %broadcast_in_dim3A_50 = vector.shape_cast %get3A_49 : vector<1x2048xi32> to vector<1x2048xi32>
      %broadcast_in_dim3A_51 = vector.broadcast %broadcast_in_dim3A_50 : vector<1x2048xi32> to vector<8x2048xi32>
      %swap3A = arith.constant 0 : index
      %swap3A_52 = arith.constant 0 : index
      %swap3A_53 = arith.constant 0 : index
      %swap3A_54 = vector.load %arg5[%swap3A, %swap3A_52, %swap3A_53] : memref<1x8x2048xi32, #tpu.memory_space<vmem>>, vector<1x8x2048xi32>
      %swap3A_55 = vector.shape_cast %swap3A_54 : vector<1x8x2048xi32> to vector<8x2048xi32>
      %swap3A_56 = vector.shape_cast %broadcast_in_dim3A_51 : vector<8x2048xi32> to vector<1x8x2048xi32>
      tpu.vector_store %arg5[%swap3A, %swap3A_52, %swap3A_53], %swap3A_56 {strides = array<i32>} : memref<1x8x2048xi32, #tpu.memory_space<vmem>>, vector<1x8x2048xi32>,
    } else {
    }
    return
  }
  func.func @transform_0(%arg0: i32, %arg1: i32, %arg2: i32) -> (i32, i32, i32) {
    %c0_i32 = arith.constant 0 : i32
    %c0_i32_0 = arith.constant 0 : i32
    return %arg0, %c0_i32, %arg1 : i32, i32, i32
  }
  func.func @transform_1(%arg0: i32, %arg1: i32, %arg2: i32) -> (i32, i32, i32) {
    %c0_i32 = arith.constant 0 : i32
    %c0_i32_0 = arith.constant 0 : i32
    return %arg0, %c0_i32, %arg2 : i32, i32, i32
  }
  func.func @transform_2(%arg0: i32, %arg1: i32, %arg2: i32) -> (i32, i32, i32) {
    %c0_i32 = arith.constant 0 : i32
    %c0_i32_0 = arith.constant 0 : i32
    return %arg0, %c0_i32, %arg1 : i32, i32, i32
  }
}

</mosaic_0001>

<sc_bundles>
// kernel: kernel.4.cloned.1.call-start
scs
__scs_entry_jumppad:
0x0: {  	(pc) =	sbr.rel $0x88, $3  }
0x1: {  	(tag) =	ssettag $0x0;
	lr =	simm.s32 $0x1  }
0x2: {  	[smem:$0x3F9E] =	sst lr;
	_ =	strace $0xD0000000  }
0x3: {  	_ = 	snop  }
0x4: {  	_ = 	snop  }
0x5: {  	_ = 	snop  }
0x6: {  	_ = 	snop  }
0x7: {  	_ = 	snop  }
__scs_overlays_trampoline_lowered:
0x8: {  	[smem:$0x3FAD] =	sst s0  }
0x9: {  	[smem:$0x3FAE] =	sst s1  }
0xa: {  	[smem:$0x3FAF] =	sst s2  }
0xb: {  	[smem:$0x3FB0] =	sst s3  }
0xc: {  	[smem:$0x3FB1] =	sst s4  }
0xd: {  	[smem:$0x3FB2] =	sst s5  }
0xe: {  	[smem:$0x3FB3] =	sst s6  }
0xf: {  	[smem:$0x3FB4] =	sst s7  }
0x10: {  	[smem:$0x3FB5] =	sst s8  }
0x11: {  	[smem:$0x3FB6] =	sst s9;
	s0 =	simm.s32 @!p0 $0x0  }
0x12: {  	s1 =	sld [smem:$0x3F9C];
	s0 =	simm.s32 @p0 $0x1  }
0x13: {  	[smem:$0x3FB7] =	sst s0;
	s0 =	simm.s32 @!p1 $0x0  }
0x14: {  	s2 =	sld [smem:$0x3F9B];
	s0 =	simm.s32 @p1 $0x1  }
0x15: {  	[smem:$0x3FB8] =	sst s0;
	s0 =	simm.s32 @!p2 $0x0  }
0x16: {  	s3 =	sld [smem:$0x3FDB];
	s0 =	simm.s32 @p2 $0x1  }
0x17: {  	s4 =	simm.s32 $0x1BF5;
	[smem:$0x3FBA] =	sst s0  }
0x18: {  	s0 =	sld [smem:$0x3F9D];
	_ =	swait.ge [sflag:s4], $0x0  }
0x19: {  	s7 =	sld [smem:$0x3F9E]  }
0x1a: {  	s8 =	sadd.s32 $0xFFFFE003, lr  }
0x1b: {  	s9 =	sadd.s32 $0xFFFFFEF7, lr;
	s5 =	simm.s32 $0xFFFFFFFF;
	p2 =	slt.u32 s8, $0xFFFFF086  }
0x1c: {  	p1 =	slt.u32 s9, $0xF7A;
	s5 =	simm.s32 @!p2 $0x0  }
0x1d: {  	s5 =	simm.s32 @p1 $0x1;
	p0 =	seq.s32 s7, s2  }
0x1e: {  	s7 =	smul.u32 @!p0 $0xF7A, s2;
	p2 =	seq.s32 @!p0 s5, $0x0  }
0x1f: {  	s9 =	smul.u32 $0xF7A, s1;
	s8 =	simm.s32 @!p0 $0x1BF5;
	p2 =	por !p2, p0  }
0x20: {  	[sflag:s8] =	ssyncset.s32 @!p0 $0xFFFFF086;
	s6 =	sadd.s32 @!p0 s3, s7;
	s7 =	simm.s32 @!p0 $0x108  }
0x21: {  	s3 =	sadd.s32 s3, s9;
	s6 =	sadd.s32 @!p0 $0x88, s6;
	s7 =	simm.s32 @p2 $0x1082  }
0x22: {  	[simem:s7], [sflag:s8] =	dma.local @!p0 [hbm:s6], $0xF7A  }
0x23: {  	s9 =	sor.u32 $0xD0000000, s2;
	s6 =	simm.s32 $0x108;
	_ =	swait.ge @!p0 [sflag:s8], $0x0  }
0x24: {  	s3 =	sadd.s32 $0x88, s3;
	s6 =	simm.s32 @!p1 $0x1082;
	[sflag:s4] =	ssyncset.s32 $0xFFFFF086  }
0x25: {  	[simem:s6], [sflag:s4] =	dma.local [hbm:s3], $0xF7A  }
0x26: {  	[smem:$0x3F9E] =	sst s1;
	(tag) =	ssettag s2;
	_ =	strace s9  }
0x27: {  	s1 =	sld [smem:$0x3FAE]  }
0x28: {  	s2 =	sld [smem:$0x3FAF]  }
0x29: {  	s4 =	sld [smem:$0x3FB1]  }
0x2a: {  	p0 =	seq.s32 s5, $0x0;
	s5 =	sld [smem:$0x3FB2]  }
0x2b: {  	s6 =	sld [smem:$0x3FB3]  }
0x2c: {  	s7 =	sld [smem:$0x3FB4]  }
0x2d: {  	s3 =	simm.s32 $0x108;
	s8 =	sld [smem:$0x3FB5]  }
0x2e: {  	s3 =	simm.s32 @!p0 $0x1082;
	s9 =	sld [smem:$0x3FB6]  }
0x2f: {  	lr =	sadd.s32 s0, s3;
	s0 =	sld [smem:$0x3FAD]  }
0x30: {  	s3 =	sld [smem:$0x3FB0]  }
0x31: {  	[smem:$0x3FB9] =	sst s10  }
0x32: {  	s10 =	sld [smem:$0x3FB7];
	_ =	sdelay $0x3  }
0x33: {  	p0 =	seq.s32 s10, $0x1;
	s10 =	sld [smem:$0x3FB9];
	_ =	sdelay $0x3  }
0x34: {  	[smem:$0x3FB9] =	sst s10  }
0x35: {  	s10 =	sld [smem:$0x3FB8];
	_ =	sdelay $0x3  }
0x36: {  	p1 =	seq.s32 s10, $0x1;
	s10 =	sld [smem:$0x3FB9];
	_ =	sdelay $0x3  }
0x37: {  	[smem:$0x3FB9] =	sst s10  }
0x38: {  	s10 =	sld [smem:$0x3FBA]  }
0x39: {  	_ = 	snop;
	(pc) =	sbr.ind lr, $3  }
0x3a: {  	_ = 	snop  }
0x3b: {  	_ = 	snop  }
0x3c: {  	p2 =	seq.s32 s10, $0x1;
	s10 =	sld [smem:$0x3FB9]  }
0x3d: {  	_ =	shalt  }
0x3e: {  	_ =	shalt  }
0x3f: {  	_ =	shalt  }
0x40: {  	_ =	shalt  }
0x41: {  	_ =	shalt  }
0x42: {  	_ =	shalt  }
0x43: {  	_ =	shalt  }
0x44: {  	_ =	shalt  }
0x45: {  	_ =	shalt  }
0x46: {  	_ =	shalt  }
0x47: {  	_ =	shalt  }
0x48: {  	_ =	shalt  }
0x49: {  	_ =	shalt  }
0x4a: {  	_ =	shalt  }
0x4b: {  	_ =	shalt  }
0x4c: {  	_ =	shalt  }
0x4d: {  	_ =	shalt  }
0x4e: {  	_ =	shalt  }
0x4f: {  	_ =	shalt  }
0x50: {  	_ =	shalt  }
0x51: {  	_ =	shalt  }
0x52: {  	_ =	shalt  }
0x53: {  	_ =	shalt  }
0x54: {  	_ =	shalt  }
0x55: {  	_ =	shalt  }
0x56: {  	_ =	shalt  }
0x57: {  	_ =	shalt  }
0x58: {  	_ =	shalt  }
0x59: {  	_ =	shalt  }
0x5a: {  	_ =	shalt  }
0x5b: {  	_ =	shalt  }
0x5c: {  	_ =	shalt  }
0x5d: {  	_ =	shalt  }
0x5e: {  	_ =	shalt  }
0x5f: {  	_ =	shalt  }
0x60: {  	_ =	shalt  }
0x61: {  	_ =	shalt  }
0x62: {  	_ =	shalt  }
0x63: {  	_ =	shalt  }
0x64: {  	_ =	shalt  }
0x65: {  	_ =	shalt  }
0x66: {  	_ =	shalt  }
0x67: {  	_ =	shalt  }
0x68: {  	_ =	shalt  }
0x69: {  	_ =	shalt  }
0x6a: {  	_ =	shalt  }
0x6b: {  	_ =	shalt  }
0x6c: {  	_ =	shalt  }
0x6d: {  	_ =	shalt  }
0x6e: {  	_ =	shalt  }
0x6f: {  	_ =	shalt  }
0x70: {  	_ =	shalt  }
0x71: {  	_ =	shalt  }
0x72: {  	_ =	shalt  }
0x73: {  	_ =	shalt  }
0x74: {  	_ =	shalt  }
0x75: {  	_ =	shalt  }
0x76: {  	_ =	shalt  }
0x77: {  	_ =	shalt  }
0x78: {  	_ =	shalt  }
0x79: {  	_ =	shalt  }
0x7a: {  	_ =	shalt  }
0x7b: {  	_ =	shalt  }
0x7c: {  	_ =	shalt  }
0x7d: {  	_ =	shalt  }
0x7e: {  	_ =	shalt  }
0x7f: {  	_ =	shalt  }
0x80: {  	_ =	shalt  }
0x81: {  	_ =	shalt  }
0x82: {  	_ =	shalt  }
0x83: {  	_ =	shalt  }
0x84: {  	_ =	shalt  }
0x85: {  	_ =	shalt  }
0x86: {  	_ =	shalt  }
0x87: {  	_ =	shalt  }
.Lfunc_end0:
.L_simem_size_0:
called_computation_lowered:
.L_overlay_start_0:
0x88: {  	s2 =	sld [smem:$0x3FD9]  }
0x89: {  	s3 =	sld [smem:$0x3FFE];
	_ =	sdelay $0x1  }
0x8a: {  	s1 =	srdreg.scid  }
0x8b: {  	s0 =	sand.u32 $0x1, s1  }
0x8c: {  	s17 =	sshll.u32 s0, $0xA;
	s2 =	sadd.s32 s3, s2  }
0x8d: {  	s2 =	sadd.s32 s2, s17  }
0x8e: {  	[smem:$0x3FC5] =	sst s2  }
0x8f: {  	_ = 	snop  }
0x90: {  	s2 =	sld [smem:$0x3FC7]  }
0x91: {  	s18 =	sld [smem:$0x3FD0];
	(tm) =	ssettm $0x1  }
0x92: {  	s4 =	sld [smem:$0x3FFB];
	_ =	sdelay $0x3  }
0x93: {  	_ =	strace s4  }
0x94: {  	s4 =	sld [smem:$0x3FFC];
	_ =	sdelay $0x3  }
0x95: {  	_ =	strace s4  }
0x96: {  	s4 =	sld [smem:$0x3FFD];
	_ =	sdelay $0x3  }
0x97: {  	_ =	strace s4  }
0x98: {  	_ =	strace $0x8FFFFFFF  }
0x99: {  	s19 =	sld [smem:$0x3FDB];
	_ =	sdelay $0x1  }
0x9a: {  	s5 =	simm.s32 $_scs_section_size  }
0x9b: {  	s6 =	simm.s32 $_size__tile_overlayer_lowered;
	s7 =	simm.s32 $_tile_overlayer_lowered  }
0x9c: {  	s22 =	simm.s32 $0x1BFF;
	s21 =	sshll.u32 s7, $0x1;
	s4 =	sadd.s32 s5, s19  }
0x9d: {  	s8 =	simm.s32 $0x0;
	s20 =	sshll.u32 s6, $0x1;
	s6 =	sadd.s32 s21, s4  }
0x9e: {  	[timem:s8], [sflag:s22] =	dma.local [hbm:s6], s20  }
0x9f: {  	_ =	swait.ge [sflag:s22], s20  }
0xa0: {  	s5 =	ssub.s32 $0x0, s20;
	[sflag:s22] =	ssyncset.done $0x0  }
0xa1: {  	[sflag:s22] =	ssyncadd.s32 s5;
	_ =	sdelay $0x1  }
0xa2: {  	s23 =	simm.s32 $0x1B8B  }
0xa3: {  	_ =	swait.ge [sflag:s23], $0x1  }
0xa4: {  	[sflag:s23] =	ssyncset.done $0x0  }
0xa5: {  	s25 =	simm.s32 $0x1B8E;
	s24 =	sld [smem:$0x3FFE];
	[sflag:s23] =	ssyncadd.s32 $0xFFFFFFFF  }
0xa6: {  	s26 =	simm.s32 $execute0_lowered;
	[smem:$0x3FD2] =	sst s25  }
0xa7: {  	s6 =	sshll.u32 s26, $0x1;
	_ =	strace $0x80000046;
	[dreg:$0x1] =	wrdreg $0xFFFFFFFF  }
0xa8: {  	s28 =	simm.s32 $_size_execute0_lowered;
	s4 =	sadd.s32 s4, s6;
	[dreg:$0x0] =	wrdreg $0x0  }
0xa9: {  	s6 =	sshll.u32 s28, $0x1;
	[dreg:$0x2] =	wrdreg s4  }
0xaa: {  	[dreg:$0x3] =	wrdreg s6  }
0xab: {  	[dreg:$0x4] =	wrdreg $0xC0  }
0xac: {  	_ =	task [dreg:s8], $0x5FFFF  }
0xad: {  	[dreg:$0x1] =	wrdreg $0xFFFFFFFF  }
0xae: {  	[dreg:$0x0] =	wrdreg $0x60  }
0xaf: {  	[dreg:$0x2] =	wrdreg s2  }
0xb0: {  	[dreg:$0x3] =	wrdreg s18  }
0xb1: {  	[dreg:$0x4] =	wrdreg s24  }
0xb2: {  	[dreg:$0x5] =	wrdreg $0x9  }
0xb3: {  	_ =	task.clear_ibuf [dreg:s8], $0x6FFFF;
	_ =	strace $0x90000046  }
0xb4: {  	s29 =	simm.s32 $0x9;
	_ =	strace $0x80000048  }
0xb5: {  	_ =	swait.ge [sflag:s29], $0x1  }
0xb6: {  	[sflag:s29] =	ssyncadd.s32 $0xFFFFFFFF  }
0xb7: {  	_ =	strace $0x90000048  }
0xb8: {  	_ =	sfence  }
0xb9: {  	s30 =	sld [smem:$0x0];
	_ =	sdelay $0x2  }
0xba: {  	s31 =	sshll.u32 s1, $0xD;
	s1 =	sshrl.u32 s1, $0x2  }
0xbb: {  	s3 =	sand.u32 $0x4000, s31;
	s1 =	sadd.s32 s1, s30  }
0xbc: {  	s0 =	sor.u32 s3, s0;
	s1 =	sshll.u32 s1, $0x11  }
0xbd: {  	s0 =	sor.u32 s1, s0  }
0xbe: {  	s0 =	sadd.s32 $0x8F2B, s0  }
0xbf: {  	[sflag:s0] =	ssyncadd.remote.s32 $0x1  }
0xc0: {  	_ =	sfence.sel $0xFFFF  }
0xc1: {  	[dreg:$0x0] =	wrdreg $0xFFFFFFFF;
	(pc) =	sbr.abs _section_cstart, $3  }
0xc2: {  	[dreg:$0x1] =	wrdreg $0xFFFFFFFF  }
0xc3: {  	_ =	task.clear_ibuf [dreg:s8], $0x2FFFF;
	_ =	strace $0x9FFFFFFF  }
0xc4: {  	(tm) =	ssettm $0x7FFFFFFF  }
0xc5: {  	_ =	shalt  }
tec
execute0_lowered:
.L_overlay_start_1:
0x0: {  	(tag) =	ssettag $0x1  }
0x1: {  	s2 =	srdreg.scid  }
0x2: {  	s0 =	stileid.u32;
	s1 =	rddreg [dreg:$0x0]  }
0x3: {  	s4 =	rddreg [dreg:$0x1];
	s2 =	sand.u32 $0x1, s2;
	s3 =	sshll.u32 s0, $0x1  }
0x4: {  	s6 =	rddreg [dreg:$0x2];
	s5 =	sor.u32 s2, s3;
	s3 =	simm.s32 $0x0  }
0x5: {  	s26 =	simm.s32 $0x980;
	[smem:$0x7FF] =	sst s3  }
0x6: {  	s0 =	simm.s32 $0x1180;
	_ =	strace $0x80000047;
	[dreg:$0x6] =	wrdreg s26  }
0x7: {  	s8 =	simm.s32 $0x3180;
	[dreg:$0x7] =	wrdreg s0  }
0x8: {  	s9 =	simm.s32 $0x3980;
	[dreg:$0xb] =	wrdreg s8  }
0x9: {  	s10 =	simm.s32 $0x4180;
	[dreg:$0xc] =	wrdreg s9  }
0xa: {  	s11 =	simm.s32 $0x4980;
	[dreg:$0xd] =	wrdreg s10  }
0xb: {  	s12 =	simm.s32 $0x5180;
	[dreg:$0xe] =	wrdreg s11  }
0xc: {  	s13 =	simm.s32 $0x5980;
	[dreg:$0xf] =	wrdreg s12  }
0xd: {  	s14 =	simm.s32 $0x6180;
	[dreg:$0x10] =	wrdreg s13  }
0xe: {  	s15 =	simm.s32 $0x6980;
	s16 =	simm.s32 $0x7180;
	[dreg:$0x11] =	wrdreg s14  }
0xf: {  	s17 =	simm.s32 $0x7980;
	s18 =	simm.s32 $0x8180;
	[dreg:$0x12] =	wrdreg s15  }
0x10: {  	s19 =	simm.s32 $0x8980;
	s20 =	simm.s32 $0x9180;
	[dreg:$0x13] =	wrdreg s16  }
0x11: {  	s21 =	simm.s32 $0x9980;
	s23 =	simm.s32 $0xA180;
	[dreg:$0x14] =	wrdreg s17  }
0x12: {  	s24 =	simm.s32 $0xA980;
	s28 =	simm.s32 $0x16180;
	[dreg:$0x15] =	wrdreg s18  }
0x13: {  	s29 =	simm.s32 $0x16980;
	s30 =	simm.s32 $0x17180;
	[dreg:$0x16] =	wrdreg s19  }
0x14: {  	s31 =	simm.s32 $0x17980;
	s2 =	ssub.s32 $0x2, s2;
	[dreg:$0x17] =	wrdreg s20  }
0x15: {  	s7 =	smul.u32 $0x3000, s5;
	s22 =	sshrl.u32 s2, $0x1;
	[dreg:$0x18] =	wrdreg s21  }
0x16: {  	s5 =	smul.u32 $0x30, s5;
	s2 =	ssub.s32 s2, s22;
	[dreg:$0x19] =	wrdreg s23  }
0x17: {  	[dreg:$0x1a] =	wrdreg s24;
	s26 =	simm.s32 $0xB980;
	s8 =	simm.s32 $0xC980  }
0x18: {  	s9 =	simm.s32 $0xD180;
	s10 =	simm.s32 $0xD980;
	s11 =	simm.s32 $0xE180  }
0x19: {  	s12 =	simm.s32 $0xE980;
	s13 =	simm.s32 $0xF180;
	s14 =	simm.s32 $0xF980  }
0x1a: {  	s15 =	simm.s32 $0x10180;
	s16 =	simm.s32 $0x10980;
	s17 =	simm.s32 $0x11180  }
0x1b: {  	s18 =	simm.s32 $0x11980;
	s19 =	simm.s32 $0x12180;
	s20 =	simm.s32 $0x12980  }
0x1c: {  	s21 =	simm.s32 $0x13180;
	s22 =	simm.s32 $0x13980;
	s23 =	simm.s32 $0x14180  }
0x1d: {  	s24 =	simm.s32 $0x14980;
	s4 =	sadd.s32 s4, s5;
	[dreg:$0x1c] =	wrdreg s26  }
0x1e: {  	s6 =	sadd.s32 s7, s6;
	s5 =	simm.s32 $0x1980;
	[dreg:$0x4] =	wrdreg s4  }
0x1f: {  	s7 =	simm.s32 $0x2980;
	s26 =	simm.s32 $0x15980;
	[dreg:$0x8] =	wrdreg s5  }
0x20: {  	s25 =	sadd.s32 $0x600, s6;
	s6 =	simm.s32 $0x2180;
	[dreg:$0xa] =	wrdreg s7  }
0x21: {  	v2 =	vlaneseq.u32;
	s4 =	smax.u32 s2, $0x1;
	s5 =	simm.s32 $0x2;
	[dreg:$0x5] =	wrdreg s25  }
0x22: {  	vm0 =	vmmov $0xffff;
	v1 =	vshrl.u32 v2, $0x3;
	s2 =	simm.s32 $0x1;
	[dreg:$0x9] =	wrdreg s6;
	s25 =	simm.s32 $0xB180  }
0x23: {  	v0 =	vand.u32 $0x7, v2;
	v2 =	vor.u32 $0x8, v2;
	v1 =	vmul.u32 $0x8, v1;
	s6 =	simm.s32 $0x180;
	[dreg:$0x1b] =	wrdreg s25;
	s25 =	simm.s32 $0x15180  }
.LBB2_1:
0x24: {  	s0 =	rddreg [dreg:$0x4]  }
0x25: {  	[tilespmem:s3], [sflag:$0x2] =	stream.linear.gather [hbm4b:s0+s3], $0x180, $0x38;
	[tilespmem:$0x18180] =	vst v63  }
0x26: {  	_ =	swait.ge [sflag:s5], $0x180  }
0x27: {  	[sflag:s5] =	ssyncset.done $0x0  }
0x28: {  	[sflag:s5] =	ssyncadd.s32 $0xFFFFFE80  }
0x29: {  	v3 =	vld [tilespmem:$0x0];
	_ =	sdelay $0x4  }
0x2a: {  	v4 =	vshll.u32 v3, $0x1  }
0x2b: {  	v3 =	vand.u32 $0x7, v3;
	v4 =	vand.u32 $0xFFFFFFF0, v4  }
0x2c: {  	v3 =	vor.u32 v3, v4  }
0x2d: {  	v4 =	vperm.xlane v3, v0;
	_ =	sdelay $0x1  }
0x2e: {  	v3 =	vperm.xlane v3, v2;
	v4 =	vadd.s32 v1, v4;
	_ =	sdelay $0x1  }
0x2f: {  	v3 =	vadd.s32 v1, v3;
	_ =	sdelay $0x2  }
0x30: {  	[tilespmem:s6], [sflag:$0x1] =	stream.indirect_vreg.gather [hbm4b:s1+s3], $0x80, v4, vm0, $0xb8;
	[tilespmem:$0x18180] =	vst v63  }
0x31: {  	s7 =	rddreg [dreg:$0x6]  }
0x32: {  	[tilespmem:s7], [sflag:$0x1] =	stream.indirect_vreg.gather [hbm4b:s1+s3], $0x80, v3, vm0, $0xb8;
	[tilespmem:$0x18180] =	vst v63  }
0x33: {  	v3 =	vld [tilespmem:$0x10];
	_ =	sdelay $0x4  }
0x34: {  	v41 =	vshll.u32 v3, $0x1  }
0x35: {  	v3 =	vand.u32 $0x7, v3;
	v4 =	vand.u32 $0xFFFFFFF0, v41  }
0x36: {  	v3 =	vor.u32 v3, v4  }
0x37: {  	v4 =	vperm.xlane v3, v0;
	_ =	sdelay $0x1  }
0x38: {  	v3 =	vperm.xlane v3, v2;
	v4 =	vadd.s32 v1, v4;
	_ =	sdelay $0x1  }
0x39: {  	v3 =	vadd.s32 v1, v3;
	_ =	sdelay $0x1  }
0x3a: {  	s0 =	rddreg [dreg:$0x7]  }
0x3b: {  	[tilespmem:s0], [sflag:$0x1] =	stream.indirect_vreg.gather [hbm4b:s1+s3], $0x80, v4, vm0, $0xb8;
	[tilespmem:$0x18180] =	vst v63  }
0x3c: {  	s7 =	rddreg [dreg:$0x8]  }
0x3d: {  	[tilespmem:s7], [sflag:$0x1] =	stream.indirect_vreg.gather [hbm4b:s1+s3], $0x80, v3, vm0, $0xb8;
	[tilespmem:$0x18180] =	vst v63  }
0x3e: {  	v3 =	vld [tilespmem:$0x20];
	_ =	sdelay $0x4  }
0x3f: {  	v42 =	vshll.u32 v3, $0x1  }
0x40: {  	v3 =	vand.u32 $0x7, v3;
	v4 =	vand.u32 $0xFFFFFFF0, v42  }
0x41: {  	v3 =	vor.u32 v3, v4  }
0x42: {  	v4 =	vperm.xlane v3, v0;
	_ =	sdelay $0x1  }
0x43: {  	v3 =	vperm.xlane v3, v2;
	v4 =	vadd.s32 v1, v4;
	_ =	sdelay $0x1  }
0x44: {  	v3 =	vadd.s32 v1, v3;
	_ =	sdelay $0x1  }
0x45: {  	s0 =	rddreg [dreg:$0x9]  }
0x46: {  	[tilespmem:s0], [sflag:$0x1] =	stream.indirect_vreg.gather [hbm4b:s1+s3], $0x80, v4, vm0, $0xb8;
	[tilespmem:$0x18180] =	vst v63  }
0x47: {  	s7 =	rddreg [dreg:$0xa]  }
0x48: {  	[tilespmem:s7], [sflag:$0x1] =	stream.indirect_vreg.gather [hbm4b:s1+s3], $0x80, v3, vm0, $0xb8;
	[tilespmem:$0x18180] =	vst v63  }
0x49: {  	v3 =	vld [tilespmem:$0x30];
	_ =	sdelay $0x4  }
0x4a: {  	v43 =	vshll.u32 v3, $0x1  }
0x4b: {  	v3 =	vand.u32 $0x7, v3;
	v4 =	vand.u32 $0xFFFFFFF0, v43  }
0x4c: {  	v3 =	vor.u32 v3, v4  }
0x4d: {  	v4 =	vperm.xlane v3, v0;
	_ =	sdelay $0x1  }
0x4e: {  	v3 =	vperm.xlane v3, v2;
	v4 =	vadd.s32 v1, v4;
	_ =	sdelay $0x1  }
0x4f: {  	v3 =	vadd.s32 v1, v3;
	_ =	sdelay $0x1  }
0x50: {  	s0 =	rddreg [dreg:$0xb]  }
0x51: {  	[tilespmem:s0], [sflag:$0x1] =	stream.indirect_vreg.gather [hbm4b:s1+s3], $0x80, v4, vm0, $0xb8;
	[tilespmem:$0x18180] =	vst v63  }
0x52: {  	s7 =	rddreg [dreg:$0xc]  }
0x53: {  	[tilespmem:s7], [sflag:$0x1] =	stream.indirect_vreg.gather [hbm4b:s1+s3], $0x80, v3, vm0, $0xb8;
	[tilespmem:$0x18180] =	vst v63  }
0x54: {  	v3 =	vld [tilespmem:$0x40];
	_ =	sdelay $0x4  }
0x55: {  	v44 =	vshll.u32 v3, $0x1  }
0x56: {  	v3 =	vand.u32 $0x7, v3;
	v4 =	vand.u32 $0xFFFFFFF0, v44  }
0x57: {  	v3 =	vor.u32 v3, v4  }
0x58: {  	v4 =	vperm.xlane v3, v0;
	_ =	sdelay $0x1  }
0x59: {  	v3 =	vperm.xlane v3, v2;
	v4 =	vadd.s32 v1, v4;
	_ =	sdelay $0x1  }
0x5a: {  	v3 =	vadd.s32 v1, v3;
	_ =	sdelay $0x1  }
0x5b: {  	s0 =	rddreg [dreg:$0xd]  }
0x5c: {  	[tilespmem:s0], [sflag:$0x1] =	stream.indirect_vreg.gather [hbm4b:s1+s3], $0x80, v4, vm0, $0xb8;
	[tilespmem:$0x18180] =	vst v63  }
0x5d: {  	s7 =	rddreg [dreg:$0xe]  }
0x5e: {  	[tilespmem:s7], [sflag:$0x1] =	stream.indirect_vreg.gather [hbm4b:s1+s3], $0x80, v3, vm0, $0xb8;
	[tilespmem:$0x18180] =	vst v63  }
0x5f: {  	v3 =	vld [tilespmem:$0x50];
	_ =	sdelay $0x4  }
0x60: {  	v45 =	vshll.u32 v3, $0x1  }
0x61: {  	v3 =	vand.u32 $0x7, v3;
	v4 =	vand.u32 $0xFFFFFFF0, v45  }
0x62: {  	v3 =	vor.u32 v3, v4  }
0x63: {  	v4 =	vperm.xlane v3, v0;
	_ =	sdelay $0x1  }
0x64: {  	v3 =	vperm.xlane v3, v2;
	v4 =	vadd.s32 v1, v4;
	_ =	sdelay $0x1  }
0x65: {  	v3 =	vadd.s32 v1, v3;
	_ =	sdelay $0x1  }
0x66: {  	s0 =	rddreg [dreg:$0xf]  }
0x67: {  	[tilespmem:s0], [sflag:$0x1] =	stream.indirect_vreg.gather [hbm4b:s1+s3], $0x80, v4, vm0, $0xb8;
	[tilespmem:$0x18180] =	vst v63  }
0x68: {  	s7 =	rddreg [dreg:$0x10]  }
0x69: {  	[tilespmem:s7], [sflag:$0x1] =	stream.indirect_vreg.gather [hbm4b:s1+s3], $0x80, v3, vm0, $0xb8;
	[tilespmem:$0x18180] =	vst v63  }
0x6a: {  	v3 =	vld [tilespmem:$0x60];
	_ =	sdelay $0x4  }
0x6b: {  	v46 =	vshll.u32 v3, $0x1  }
0x6c: {  	v3 =	vand.u32 $0x7, v3;
	v4 =	vand.u32 $0xFFFFFFF0, v46  }
0x6d: {  	v3 =	vor.u32 v3, v4  }
0x6e: {  	v4 =	vperm.xlane v3, v0;
	_ =	sdelay $0x1  }
0x6f: {  	v3 =	vperm.xlane v3, v2;
	v4 =	vadd.s32 v1, v4;
	_ =	sdelay $0x1  }
0x70: {  	v3 =	vadd.s32 v1, v3;
	_ =	sdelay $0x1  }
0x71: {  	s0 =	rddreg [dreg:$0x11]  }
0x72: {  	[tilespmem:s0], [sflag:$0x1] =	stream.indirect_vreg.gather [hbm4b:s1+s3], $0x80, v4, vm0, $0xb8;
	[tilespmem:$0x18180] =	vst v63  }
0x73: {  	s7 =	rddreg [dreg:$0x12]  }
0x74: {  	[tilespmem:s7], [sflag:$0x1] =	stream.indirect_vreg.gather [hbm4b:s1+s3], $0x80, v3, vm0, $0xb8;
	[tilespmem:$0x18180] =	vst v63  }
0x75: {  	v3 =	vld [tilespmem:$0x70];
	_ =	sdelay $0x4  }
0x76: {  	v47 =	vshll.u32 v3, $0x1  }
0x77: {  	v3 =	vand.u32 $0x7, v3;
	v4 =	vand.u32 $0xFFFFFFF0, v47  }
0x78: {  	v3 =	vor.u32 v3, v4  }
0x79: {  	v4 =	vperm.xlane v3, v0;
	_ =	sdelay $0x1  }
0x7a: {  	v3 =	vperm.xlane v3, v2;
	v4 =	vadd.s32 v1, v4;
	_ =	sdelay $0x1  }
0x7b: {  	v3 =	vadd.s32 v1, v3;
	_ =	sdelay $0x1  }
0x7c: {  	s0 =	rddreg [dreg:$0x13]  }
0x7d: {  	[tilespmem:s0], [sflag:$0x1] =	stream.indirect_vreg.gather [hbm4b:s1+s3], $0x80, v4, vm0, $0xb8;
	[tilespmem:$0x18180] =	vst v63  }
0x7e: {  	s7 =	rddreg [dreg:$0x14]  }
0x7f: {  	[tilespmem:s7], [sflag:$0x1] =	stream.indirect_vreg.gather [hbm4b:s1+s3], $0x80, v3, vm0, $0xb8;
	[tilespmem:$0x18180] =	vst v63  }
0x80: {  	v3 =	vld [tilespmem:$0x80];
	_ =	sdelay $0x4  }
0x81: {  	v48 =	vshll.u32 v3, $0x1  }
0x82: {  	v3 =	vand.u32 $0x7, v3;
	v4 =	vand.u32 $0xFFFFFFF0, v48  }
0x83: {  	v3 =	vor.u32 v3, v4  }
0x84: {  	v4 =	vperm.xlane v3, v0;
	_ =	sdelay $0x1  }
0x85: {  	v3 =	vperm.xlane v3, v2;
	v4 =	vadd.s32 v1, v4;
	_ =	sdelay $0x1  }
0x86: {  	v3 =	vadd.s32 v1, v3;
	_ =	sdelay $0x1  }
0x87: {  	s0 =	rddreg [dreg:$0x15]  }
0x88: {  	[tilespmem:s0], [sflag:$0x1] =	stream.indirect_vreg.gather [hbm4b:s1+s3], $0x80, v4, vm0, $0xb8;
	[tilespmem:$0x18180] =	vst v63  }
0x89: {  	s7 =	rddreg [dreg:$0x16]  }
0x8a: {  	[tilespmem:s7], [sflag:$0x1] =	stream.indirect_vreg.gather [hbm4b:s1+s3], $0x80, v3, vm0, $0xb8;
	[tilespmem:$0x18180] =	vst v63  }
0x8b: {  	v3 =	vld [tilespmem:$0x90];
	_ =	sdelay $0x4  }
0x8c: {  	v49 =	vshll.u32 v3, $0x1  }
0x8d: {  	v3 =	vand.u32 $0x7, v3;
	v4 =	vand.u32 $0xFFFFFFF0, v49  }
0x8e: {  	v3 =	vor.u32 v3, v4  }
0x8f: {  	v4 =	vperm.xlane v3, v0;
	_ =	sdelay $0x1  }
0x90: {  	v3 =	vperm.xlane v3, v2;
	v4 =	vadd.s32 v1, v4;
	_ =	sdelay $0x1  }
0x91: {  	v3 =	vadd.s32 v1, v3;
	_ =	sdelay $0x1  }
0x92: {  	s0 =	rddreg [dreg:$0x17]  }
0x93: {  	[tilespmem:s0], [sflag:$0x1] =	stream.indirect_vreg.gather [hbm4b:s1+s3], $0x80, v4, vm0, $0xb8;
	[tilespmem:$0x18180] =	vst v63  }
0x94: {  	s7 =	rddreg [dreg:$0x18]  }
0x95: {  	[tilespmem:s7], [sflag:$0x1] =	stream.indirect_vreg.gather [hbm4b:s1+s3], $0x80, v3, vm0, $0xb8;
	[tilespmem:$0x18180] =	vst v63  }
0x96: {  	v3 =	vld [tilespmem:$0xA0];
	_ =	sdelay $0x4  }
0x97: {  	v50 =	vshll.u32 v3, $0x1  }
0x98: {  	v3 =	vand.u32 $0x7, v3;
	v4 =	vand.u32 $0xFFFFFFF0, v50  }
0x99: {  	v3 =	vor.u32 v3, v4  }
0x9a: {  	v4 =	vperm.xlane v3, v0;
	_ =	sdelay $0x1  }
0x9b: {  	v3 =	vperm.xlane v3, v2;
	v4 =	vadd.s32 v1, v4;
	_ =	sdelay $0x1  }
0x9c: {  	v3 =	vadd.s32 v1, v3;
	_ =	sdelay $0x1  }
0x9d: {  	s0 =	rddreg [dreg:$0x19]  }
0x9e: {  	[tilespmem:s0], [sflag:$0x1] =	stream.indirect_vreg.gather [hbm4b:s1+s3], $0x80, v4, vm0, $0xb8;
	[tilespmem:$0x18180] =	vst v63  }
0x9f: {  	s7 =	rddreg [dreg:$0x1a]  }
0xa0: {  	[tilespmem:s7], [sflag:$0x1] =	stream.indirect_vreg.gather [hbm4b:s1+s3], $0x80, v3, vm0, $0xb8;
	[tilespmem:$0x18180] =	vst v63  }
0xa1: {  	v3 =	vld [tilespmem:$0xB0];
	_ =	sdelay $0x4  }
0xa2: {  	v51 =	vshll.u32 v3, $0x1  }
0xa3: {  	v3 =	vand.u32 $0x7, v3;
	v4 =	vand.u32 $0xFFFFFFF0, v51  }
0xa4: {  	v3 =	vor.u32 v3, v4  }
0xa5: {  	v4 =	vperm.xlane v3, v0;
	_ =	sdelay $0x1  }
0xa6: {  	v3 =	vperm.xlane v3, v2;
	v4 =	vadd.s32 v1, v4;
	_ =	sdelay $0x1  }
0xa7: {  	v3 =	vadd.s32 v1, v3;
	_ =	sdelay $0x1  }
0xa8: {  	s0 =	rddreg [dreg:$0x1b]  }
0xa9: {  	[tilespmem:s0], [sflag:$0x1] =	stream.indirect_vreg.gather [hbm4b:s1+s3], $0x80, v4, vm0, $0xb8;
	[tilespmem:$0x18180] =	vst v63  }
0xaa: {  	s7 =	rddreg [dreg:$0x1c]  }
0xab: {  	[tilespmem:s7], [sflag:$0x1] =	stream.indirect_vreg.gather [hbm4b:s1+s3], $0x80, v3, vm0, $0xb8;
	[tilespmem:$0x18180] =	vst v63  }
0xac: {  	v3 =	vld [tilespmem:$0xC0];
	_ =	sdelay $0x4  }
0xad: {  	v52 =	vshll.u32 v3, $0x1  }
0xae: {  	v3 =	vand.u32 $0x7, v3;
	v4 =	vand.u32 $0xFFFFFFF0, v52  }
0xaf: {  	v3 =	vor.u32 v3, v4  }
0xb0: {  	v4 =	vperm.xlane v3, v0;
	_ =	sdelay $0x1  }
0xb1: {  	v3 =	vperm.xlane v3, v2;
	v4 =	vadd.s32 v1, v4;
	_ =	sdelay $0x1  }
0xb2: {  	v3 =	vadd.s32 v1, v3;
	_ =	sdelay $0x1  }
0xb3: {  	s7 =	simm.s32 $0xC180  }
0xb4: {  	[tilespmem:s7], [sflag:$0x1] =	stream.indirect_vreg.gather [hbm4b:s1+s3], $0x80, v4, vm0, $0xb8;
	[tilespmem:$0x18180] =	vst v63  }
0xb5: {  	_ = 	snop  }
0xb6: {  	[tilespmem:s8], [sflag:$0x1] =	stream.indirect_vreg.gather [hbm4b:s1+s3], $0x80, v3, vm0, $0xb8;
	[tilespmem:$0x18180] =	vst v63  }
0xb7: {  	v3 =	vld [tilespmem:$0xD0];
	_ =	sdelay $0x4  }
0xb8: {  	v53 =	vshll.u32 v3, $0x1  }
0xb9: {  	v3 =	vand.u32 $0x7, v3;
	v4 =	vand.u32 $0xFFFFFFF0, v53  }
0xba: {  	v3 =	vor.u32 v3, v4  }
0xbb: {  	v4 =	vperm.xlane v3, v0;
	_ =	sdelay $0x1  }
0xbc: {  	v3 =	vperm.xlane v3, v2;
	v4 =	vadd.s32 v1, v4;
	_ =	sdelay $0x1  }
0xbd: {  	v3 =	vadd.s32 v1, v3;
	_ =	sdelay $0x2  }
0xbe: {  	[tilespmem:s9], [sflag:$0x1] =	stream.indirect_vreg.gather [hbm4b:s1+s3], $0x80, v4, vm0, $0xb8;
	[tilespmem:$0x18180] =	vst v63  }
0xbf: {  	_ = 	snop  }
0xc0: {  	[tilespmem:s10], [sflag:$0x1] =	stream.indirect_vreg.gather [hbm4b:s1+s3], $0x80, v3, vm0, $0xb8;
	[tilespmem:$0x18180] =	vst v63  }
0xc1: {  	v3 =	vld [tilespmem:$0xE0];
	_ =	sdelay $0x4  }
0xc2: {  	v54 =	vshll.u32 v3, $0x1  }
0xc3: {  	v3 =	vand.u32 $0x7, v3;
	v4 =	vand.u32 $0xFFFFFFF0, v54  }
0xc4: {  	v3 =	vor.u32 v3, v4  }
0xc5: {  	v4 =	vperm.xlane v3, v0;
	_ =	sdelay $0x1  }
0xc6: {  	v3 =	vperm.xlane v3, v2;
	v4 =	vadd.s32 v1, v4;
	_ =	sdelay $0x1  }
0xc7: {  	v3 =	vadd.s32 v1, v3;
	_ =	sdelay $0x2  }
0xc8: {  	[tilespmem:s11], [sflag:$0x1] =	stream.indirect_vreg.gather [hbm4b:s1+s3], $0x80, v4, vm0, $0xb8;
	[tilespmem:$0x18180] =	vst v63  }
0xc9: {  	_ = 	snop  }
0xca: {  	[tilespmem:s12], [sflag:$0x1] =	stream.indirect_vreg.gather [hbm4b:s1+s3], $0x80, v3, vm0, $0xb8;
	[tilespmem:$0x18180] =	vst v63  }
0xcb: {  	v3 =	vld [tilespmem:$0xF0];
	_ =	sdelay $0x4  }
0xcc: {  	v55 =	vshll.u32 v3, $0x1  }
0xcd: {  	v3 =	vand.u32 $0x7, v3;
	v4 =	vand.u32 $0xFFFFFFF0, v55  }
0xce: {  	v3 =	vor.u32 v3, v4  }
0xcf: {  	v4 =	vperm.xlane v3, v0;
	_ =	sdelay $0x1  }
0xd0: {  	v3 =	vperm.xlane v3, v2;
	v4 =	vadd.s32 v1, v4;
	_ =	sdelay $0x1  }
0xd1: {  	v3 =	vadd.s32 v1, v3;
	_ =	sdelay $0x2  }
0xd2: {  	[tilespmem:s13], [sflag:$0x1] =	stream.indirect_vreg.gather [hbm4b:s1+s3], $0x80, v4, vm0, $0xb8;
	[tilespmem:$0x18180] =	vst v63  }
0xd3: {  	_ = 	snop  }
0xd4: {  	[tilespmem:s14], [sflag:$0x1] =	stream.indirect_vreg.gather [hbm4b:s1+s3], $0x80, v3, vm0, $0xb8;
	[tilespmem:$0x18180] =	vst v63  }
0xd5: {  	v3 =	vld [tilespmem:$0x100];
	_ =	sdelay $0x4  }
0xd6: {  	v56 =	vshll.u32 v3, $0x1  }
0xd7: {  	v3 =	vand.u32 $0x7, v3;
	v4 =	vand.u32 $0xFFFFFFF0, v56  }
0xd8: {  	v3 =	vor.u32 v3, v4  }
0xd9: {  	v4 =	vperm.xlane v3, v0;
	_ =	sdelay $0x1  }
0xda: {  	v3 =	vperm.xlane v3, v2;
	v4 =	vadd.s32 v1, v4;
	_ =	sdelay $0x1  }
0xdb: {  	v3 =	vadd.s32 v1, v3;
	_ =	sdelay $0x2  }
0xdc: {  	[tilespmem:s15], [sflag:$0x1] =	stream.indirect_vreg.gather [hbm4b:s1+s3], $0x80, v4, vm0, $0xb8;
	[tilespmem:$0x18180] =	vst v63  }
0xdd: {  	_ = 	snop  }
0xde: {  	[tilespmem:s16], [sflag:$0x1] =	stream.indirect_vreg.gather [hbm4b:s1+s3], $0x80, v3, vm0, $0xb8;
	[tilespmem:$0x18180] =	vst v63  }
0xdf: {  	v3 =	vld [tilespmem:$0x110];
	_ =	sdelay $0x4  }
0xe0: {  	v57 =	vshll.u32 v3, $0x1  }
0xe1: {  	v3 =	vand.u32 $0x7, v3;
	v4 =	vand.u32 $0xFFFFFFF0, v57  }
0xe2: {  	v3 =	vor.u32 v3, v4  }
0xe3: {  	v4 =	vperm.xlane v3, v0;
	_ =	sdelay $0x1  }
0xe4: {  	v3 =	vperm.xlane v3, v2;
	v4 =	vadd.s32 v1, v4;
	_ =	sdelay $0x1  }
0xe5: {  	v3 =	vadd.s32 v1, v3;
	_ =	sdelay $0x2  }
0xe6: {  	[tilespmem:s17], [sflag:$0x1] =	stream.indirect_vreg.gather [hbm4b:s1+s3], $0x80, v4, vm0, $0xb8;
	[tilespmem:$0x18180] =	vst v63  }
0xe7: {  	_ = 	snop  }
0xe8: {  	[tilespmem:s18], [sflag:$0x1] =	stream.indirect_vreg.gather [hbm4b:s1+s3], $0x80, v3, vm0, $0xb8;
	[tilespmem:$0x18180] =	vst v63  }
0xe9: {  	v3 =	vld [tilespmem:$0x120];
	_ =	sdelay $0x4  }
0xea: {  	v58 =	vshll.u32 v3, $0x1  }
0xeb: {  	v3 =	vand.u32 $0x7, v3;
	v4 =	vand.u32 $0xFFFFFFF0, v58  }
0xec: {  	v3 =	vor.u32 v3, v4  }
0xed: {  	v4 =	vperm.xlane v3, v0;
	_ =	sdelay $0x1  }
0xee: {  	v3 =	vperm.xlane v3, v2;
	v4 =	vadd.s32 v1, v4;
	_ =	sdelay $0x1  }
0xef: {  	v3 =	vadd.s32 v1, v3;
	_ =	sdelay $0x2  }
0xf0: {  	[tilespmem:s19], [sflag:$0x1] =	stream.indirect_vreg.gather [hbm4b:s1+s3], $0x80, v4, vm0, $0xb8;
	[tilespmem:$0x18180] =	vst v63  }
0xf1: {  	_ = 	snop  }
0xf2: {  	[tilespmem:s20], [sflag:$0x1] =	stream.indirect_vreg.gather [hbm4b:s1+s3], $0x80, v3, vm0, $0xb8;
	[tilespmem:$0x18180] =	vst v63  }
0xf3: {  	v3 =	vld [tilespmem:$0x130];
	_ =	sdelay $0x4  }
0xf4: {  	v59 =	vshll.u32 v3, $0x1  }
0xf5: {  	v3 =	vand.u32 $0x7, v3;
	v4 =	vand.u32 $0xFFFFFFF0, v59  }
0xf6: {  	v3 =	vor.u32 v3, v4  }
0xf7: {  	v4 =	vperm.xlane v3, v0;
	_ =	sdelay $0x1  }
0xf8: {  	v3 =	vperm.xlane v3, v2;
	v4 =	vadd.s32 v1, v4;
	_ =	sdelay $0x1  }
0xf9: {  	v3 =	vadd.s32 v1, v3;
	_ =	sdelay $0x2  }
0xfa: {  	[tilespmem:s21], [sflag:$0x1] =	stream.indirect_vreg.gather [hbm4b:s1+s3], $0x80, v4, vm0, $0xb8;
	[tilespmem:$0x18180] =	vst v63  }
0xfb: {  	_ = 	snop  }
0xfc: {  	[tilespmem:s22], [sflag:$0x1] =	stream.indirect_vreg.gather [hbm4b:s1+s3], $0x80, v3, vm0, $0xb8;
	[tilespmem:$0x18180] =	vst v63  }
0xfd: {  	v3 =	vld [tilespmem:$0x140];
	_ =	sdelay $0x4  }
0xfe: {  	v60 =	vshll.u32 v3, $0x1  }
0xff: {  	v3 =	vand.u32 $0x7, v3;
	v4 =	vand.u32 $0xFFFFFFF0, v60  }
0x100: {  	v3 =	vor.u32 v3, v4  }
0x101: {  	v4 =	vperm.xlane v3, v0;
	_ =	sdelay $0x1  }
0x102: {  	v3 =	vperm.xlane v3, v2;
	v4 =	vadd.s32 v1, v4;
	_ =	sdelay $0x1  }
0x103: {  	v3 =	vadd.s32 v1, v3;
	_ =	sdelay $0x2  }
0x104: {  	[tilespmem:s23], [sflag:$0x1] =	stream.indirect_vreg.gather [hbm4b:s1+s3], $0x80, v4, vm0, $0xb8;
	[tilespmem:$0x18180] =	vst v63  }
0x105: {  	_ = 	snop  }
0x106: {  	[tilespmem:s24], [sflag:$0x1] =	stream.indirect_vreg.gather [hbm4b:s1+s3], $0x80, v3, vm0, $0xb8;
	[tilespmem:$0x18180] =	vst v63  }
0x107: {  	v3 =	vld [tilespmem:$0x150];
	_ =	sdelay $0x4  }
0x108: {  	v61 =	vshll.u32 v3, $0x1  }
0x109: {  	v3 =	vand.u32 $0x7, v3;
	v4 =	vand.u32 $0xFFFFFFF0, v61  }
0x10a: {  	v3 =	vor.u32 v3, v4  }
0x10b: {  	v4 =	vperm.xlane v3, v0;
	_ =	sdelay $0x1  }
0x10c: {  	v3 =	vperm.xlane v3, v2;
	v4 =	vadd.s32 v1, v4;
	_ =	sdelay $0x1  }
0x10d: {  	v3 =	vadd.s32 v1, v3;
	_ =	sdelay $0x2  }
0x10e: {  	[tilespmem:s25], [sflag:$0x1] =	stream.indirect_vreg.gather [hbm4b:s1+s3], $0x80, v4, vm0, $0xb8;
	[tilespmem:$0x18180] =	vst v63  }
0x10f: {  	_ = 	snop  }
0x110: {  	[tilespmem:s26], [sflag:$0x1] =	stream.indirect_vreg.gather [hbm4b:s1+s3], $0x80, v3, vm0, $0xb8;
	[tilespmem:$0x18180] =	vst v63  }
0x111: {  	v3 =	vld [tilespmem:$0x160];
	_ =	sdelay $0x4  }
0x112: {  	v62 =	vshll.u32 v3, $0x1  }
0x113: {  	v3 =	vand.u32 $0x7, v3;
	v4 =	vand.u32 $0xFFFFFFF0, v62  }
0x114: {  	v3 =	vor.u32 v3, v4  }
0x115: {  	v4 =	vperm.xlane v3, v0;
	_ =	sdelay $0x1  }
0x116: {  	v3 =	vperm.xlane v3, v2;
	v4 =	vadd.s32 v1, v4;
	_ =	sdelay $0x1  }
0x117: {  	v3 =	vadd.s32 v1, v3;
	_ =	sdelay $0x2  }
0x118: {  	[tilespmem:s28], [sflag:$0x1] =	stream.indirect_vreg.gather [hbm4b:s1+s3], $0x80, v4, vm0, $0xb8;
	[tilespmem:$0x18180] =	vst v63  }
0x119: {  	_ = 	snop  }
0x11a: {  	[tilespmem:s29], [sflag:$0x1] =	stream.indirect_vreg.gather [hbm4b:s1+s3], $0x80, v3, vm0, $0xb8;
	[tilespmem:$0x18180] =	vst v63  }
0x11b: {  	v3 =	vld [tilespmem:$0x170];
	_ =	sdelay $0x4  }
0x11c: {  	v63 =	vshll.u32 v3, $0x1  }
0x11d: {  	v3 =	vand.u32 $0x7, v3;
	v4 =	vand.u32 $0xFFFFFFF0, v63  }
0x11e: {  	v3 =	vor.u32 v3, v4  }
0x11f: {  	v4 =	vperm.xlane v3, v0;
	_ =	sdelay $0x1  }
0x120: {  	v3 =	vperm.xlane v3, v2;
	v4 =	vadd.s32 v1, v4;
	_ =	sdelay $0x1  }
0x121: {  	v3 =	vadd.s32 v1, v3;
	_ =	sdelay $0x2  }
0x122: {  	[tilespmem:s30], [sflag:$0x1] =	stream.indirect_vreg.gather [hbm4b:s1+s3], $0x80, v4, vm0, $0xb8;
	[tilespmem:$0x18180] =	vst v63  }
0x123: {  	_ = 	snop  }
0x124: {  	[tilespmem:s31], [sflag:$0x1] =	stream.indirect_vreg.gather [hbm4b:s1+s3], $0x80, v3, vm0, $0xb8;
	[tilespmem:$0x18180] =	vst v63  }
0x125: {  	_ =	swait.ge [sflag:s2], $0x18000  }
0x126: {  	p0 =	sne.s32 s4, $0x1;
	[sflag:s2] =	ssyncset.done $0x0  }
.Ltmp0:
0x127: {  	s7 =	rddreg [dreg:$0x5];
	[sflag:s2] =	ssyncadd.s32 $0xFFFE8000;
	(pc) =	sbr.rel @p0 .LBB2_1-.Ltmp0, $4  }
0x128: {  	[hbm4b:s7+s3] =	stream.linear.scatter [tilespmem:s6], [sflag:$0x2], $0x18000, $0x38;
	[tilespmem:$0x18180] =	vst v63  }
0x129: {  	_ =	swait.ge [sflag:s5], $0x18000  }
0x12a: {  	[sflag:s5] =	ssyncset.done $0x0  }
0x12b: {  	s4 =	sadd.s32 $0xFFFFFFFF, s4;
	[sflag:s5] =	ssyncadd.s32 $0xFFFE8000  }
0x12c: {  	_ =	sfence.sel $0x180000  }
0x12d: {  	[bflag:$0x0] =	sbarrier.arrive $0xFFFF  }
0x12e: {  	_ =	strace $0x90000047  }
0x12f: {  	s0 =	stileid.u32;
	[bflag:$0x2] =	sbarrier.arrive $0xFFFF  }
0x130: {  	p0 =	sne.s32 s0, $0x0;
	s0 =	rddreg [dreg:$0x3]  }
0x131: {  	s0 =	sadd.s32 @!p0 $0x100000, s0  }
0x132: {  	[sflag:s0] =	ssyncadd.tile.s32 @!p0 $0x1;
	_ =	shalt  }
.Lfunc_end2:
_tile_overlayer_lowered:
.L_overlay_start_2:
0x133: {  	(tag) =	ssettag $0x2  }
0x134: {  	s0 =	rddreg [dreg:$0x0];
	s2 =	stileid.u32  }
0x135: {  	s1 =	rddreg [dreg:$0x1];
	p0 =	sne.s32 s2, $0x0  }
0x136: {  	s3 =	rddreg [dreg:$0x2];
	[bflag:$0x3] =	sbarrier.arrive $0xFFFF;
	s2 =	simm.s32 @!p0 $0x1C02  }
0x137: {  	[timem:s3], [sflag:s2] =	dma.local @!p0 [hbm:s0], s1  }
0x138: {  	s0 =	simm.s32 @!p0 $0x2  }
0x139: {  	_ =	swait.ge @!p0 [sflag:s0], s1  }
0x13a: {  	s1 =	ssub.s32 @!p0 $0x0, s1;
	[sflag:s0] =	ssyncset.done @!p0 $0x0  }
0x13b: {  	[sflag:s0] =	ssyncadd.s32 @!p0 s1  }
0x13c: {  	[bflag:$0x3] =	sbarrier.arrive $0xFFFF  }
0x13d: {  	_ =	shalt  }

</sc_bundles>
